<compile_context>
chip_gen: v7x
topology: tpu7x:2x2x1
jax: 0.10.2.dev20260603
libtpu: 0.0.44.dev20260713+nightly
codegen_flags: <defaults>
</compile_context>

<pallas_src>
import jax
import jax.numpy as jnp
from jax import lax
from jax.experimental import pallas as pl
from jax.experimental.pallas import tpu as pltpu
from jax.experimental.pallas import tpu_sc as plsc

B = 4096
I = 1024
NC = 1
NS = 16
NW = NC * NS
SEG = 128
ROWS_PER_W = B // NW

TC_BLOCK = 1024



def _gather_body(student_ids_hbm, item_ids_hbm, ability_hbm, difficulty_hbm,
                 sa_out_hbm, idiff_out_hbm,
                 sid_v, sa_v, iid_v, idiff_v, sem, isem):
    wid = lax.axis_index("s") * NC + lax.axis_index("c")
    base = wid * ROWS_PER_W

    nseg = ROWS_PER_W // SEG
    do_items = wid < I // SEG
    ibase = wid * SEG

    pltpu.sync_copy(student_ids_hbm.at[pl.ds(base, ROWS_PER_W)], sid_v)

    @pl.when(do_items)
    def _():
        pltpu.sync_copy(item_ids_hbm.at[pl.ds(ibase, SEG)], iid_v)

    cps = [
        pltpu.async_copy(ability_hbm.at[sid_v.at[pl.ds(s * SEG, SEG)]],
                         sa_v.at[pl.ds(s * SEG, SEG)], sem)
        for s in range(nseg)
    ]

    @pl.when(do_items)
    def _():
        pltpu.async_copy(difficulty_hbm.at[iid_v], idiff_v, isem).wait()
        pltpu.sync_copy(idiff_v, idiff_out_hbm.at[pl.ds(ibase, SEG)])

    wcps = []
    for s in range(nseg):
        cps[s].wait()
        wcps.append(
            pltpu.async_copy(sa_v.at[pl.ds(s * SEG, SEG)],
                             sa_out_hbm.at[pl.ds(base + s * SEG, SEG)], isem))
    for cp in wcps:
        cp.wait()


def _sc_gather(student_ids, item_ids, student_ability, item_difficulty):
    mesh = plsc.VectorSubcoreMesh(core_axis_name="c", subcore_axis_name="s",
                                  num_cores=NC)
    run = pl.kernel(
        _gather_body,
        mesh=mesh,
        out_type=(jax.ShapeDtypeStruct((B,), jnp.float32),
                  jax.ShapeDtypeStruct((I,), jnp.float32)),
        scratch_types=[
            pltpu.VMEM((ROWS_PER_W,), jnp.int32),
            pltpu.VMEM((ROWS_PER_W,), jnp.float32),
            pltpu.VMEM((SEG,), jnp.int32),
            pltpu.VMEM((SEG,), jnp.float32),
            pltpu.SemaphoreType.DMA,
            pltpu.SemaphoreType.DMA,
        ],
    )
    return run(student_ids, item_ids, student_ability, item_difficulty)



def _dense_body(sa_ref, idiff_ref, out_ref):
    i = pl.program_id(0)
    sa_c = sa_ref[pl.ds(i * TC_BLOCK, TC_BLOCK)]
    out_ref[...] = sa_c[:, None] - idiff_ref[...][None, :]


def _tc_dense(sa, idiff):
    return pl.pallas_call(
        _dense_body,
        grid=(B // TC_BLOCK,),
        in_specs=[
            pl.BlockSpec((B,), lambda i: (0,)),
            pl.BlockSpec((I,), lambda i: (0,)),
        ],
        out_specs=pl.BlockSpec((TC_BLOCK, I), lambda i: (i, 0)),
        out_shape=jax.ShapeDtypeStruct((B, I), jnp.float32),
    )(sa, idiff)


@jax.jit
def _irt(student_ids, item_ids, student_ability, item_difficulty):
    sa, idiff = _sc_gather(student_ids, item_ids,
                           student_ability, item_difficulty)
    return _tc_dense(sa, idiff)


def kernel(student_ids, item_ids, student_ability, item_difficulty):
    return _irt(student_ids.astype(jnp.int32), item_ids.astype(jnp.int32),
                student_ability, item_difficulty)

# --- scband reference (transcript-rebuilt; emitter-appended) ---
"""Pipeline reference for scband-irtmodel-28724741275712 (READ-ONLY COPY).

The authoritative reference and input builder live on the scoring server;
editing this copy changes nothing except your own understanding.
"""

import jax, jax.numpy as jnp
import numpy as np

NUM_STUDENTS = 100000
NUM_ITEMS = 100000
B = 4096
I = 1024

def setup_inputs(seed: int = 0) -> dict:
    key = jax.random.key(seed)
    k1, k2, k3, k4 = jax.random.split(key, 4)
    student_ids = jax.random.randint(k1, (B,), 0, NUM_STUDENTS, dtype=jnp.int64 if jax.config.jax_enable_x64 else jnp.int32)
    item_ids = jax.random.randint(k2, (I,), 0, NUM_ITEMS, dtype=jnp.int64 if jax.config.jax_enable_x64 else jnp.int32)
    student_ability = 0.1 * jax.random.normal(k3, (NUM_STUDENTS,), dtype=jnp.float32)
    item_difficulty = 0.1 * jax.random.normal(k4, (NUM_ITEMS,), dtype=jnp.float32)
    return {"student_ids": student_ids, "item_ids": item_ids,
            "student_ability": student_ability, "item_difficulty": item_difficulty}

def reference(student_ids, item_ids, student_ability, item_difficulty):
    # gather student abilities: [B]
    sa = jnp.take(student_ability, student_ids, axis=0)
    # expand to [B, I]
    sa = jnp.broadcast_to(sa[:, None], (sa.shape[0], item_ids.shape[0]))
    # gather item difficulties: [I]
    idiff = jnp.take(item_difficulty, item_ids, axis=0)
    predictions = sa - idiff[None, :]
    return predictions

if __name__ == "__main__":
    import jax
    _d = setup_inputs()
    print(jax.jit(kernel)(*tuple(_d.values())))

</pallas_src>

<mosaic_0001>
#map = affine_map<(d0, d1) -> (0)>
module attributes {stable_mosaic.version = 14 : i64} {
  func.func @_gather_body(%arg0: i32, %arg1: i32, %arg2: memref<4096xi32, #tpu.memory_space<hbm>>, %arg3: memref<1024xi32, #tpu.memory_space<hbm>>, %arg4: memref<100000xf32, #tpu.memory_space<hbm>>, %arg5: memref<100000xf32, #tpu.memory_space<hbm>>, %arg6: memref<4096xf32, #tpu.memory_space<hbm>>, %arg7: memref<1024xf32, #tpu.memory_space<hbm>>, %arg8: memref<256xi32, #tpu.memory_space<vmem>>, %arg9: memref<256xf32, #tpu.memory_space<vmem>>, %arg10: memref<128xi32, #tpu.memory_space<vmem>>, %arg11: memref<128xf32, #tpu.memory_space<vmem>>, %arg12: memref<!tpu.dma_semaphore, #tpu.memory_space<semaphore_mem>>, %arg13: memref<!tpu.dma_semaphore, #tpu.memory_space<semaphore_mem>>) attributes {dimension_semantics = [#tpu.dimension_semantics<core_parallel>, #tpu.dimension_semantics<subcore_parallel>], iteration_bounds = array<i64: 1, 16>, scalar_prefetch = 0 : i64, scratch_operands = 6 : i64, tpu.core_type = #tpu.core_type<sc_vector_subcore>, window_params = [{transform_indices = #map}, {transform_indices = #map}, {transform_indices = #map}, {transform_indices = #map}, {transform_indices = #map}, {transform_indices = #map}]} {
    %mul3A = arith.constant 1 : i32
    %mul3A_0 = arith.muli %arg1, %mul3A : i32
    %add3A = arith.addi %mul3A_0, %arg0 : i32
    %mul3A_1 = arith.constant 256 : i32
    %mul3A_2 = arith.muli %add3A, %mul3A_1 : i32
    %lt3A = arith.constant 8 : i32
    %lt3A_3 = arith.cmpi slt, %add3A, %lt3A : i32
    %mul3A_4 = arith.constant 128 : i32
    %mul3A_5 = arith.muli %add3A, %mul3A_4 : i32
    "tpu.region"() ({
      %run_scoped3A = tpu.sem_alloc : memref<!tpu.dma_semaphore, #tpu.memory_space<semaphore_mem>>
      %dma_start3A_60 = tpu.memref_slice %arg2[%mul3A_2] : memref<4096xi32, #tpu.memory_space<hbm>> -> memref<256xi32, #tpu.memory_space<hbm>>
      %dma_start3A_61 = tpu.memref_slice %arg2[%mul3A_2] : memref<4096xi32, #tpu.memory_space<hbm>> -> memref<256xi32, #tpu.memory_space<hbm>>
      tpu.enqueue_dma source(%dma_start3A_61 : memref<256xi32, #tpu.memory_space<hbm>>) target(%arg8 : memref<256xi32, #tpu.memory_space<vmem>>) target_semaphore(%run_scoped3A : memref<!tpu.dma_semaphore, #tpu.memory_space<semaphore_mem>>)
      %dma_wait3A_62 = tpu.memref_slice %arg2[%mul3A_2] : memref<4096xi32, #tpu.memory_space<hbm>> -> memref<256xi32, #tpu.memory_space<hbm>>
      %dma_wait3A_63 = tpu.memref_slice %arg2[%mul3A_2] : memref<4096xi32, #tpu.memory_space<hbm>> -> memref<256xi32, #tpu.memory_space<hbm>>
      tpu.wait_dma2 semaphore(%run_scoped3A : memref<!tpu.dma_semaphore, #tpu.memory_space<semaphore_mem>>) src(%dma_wait3A_63 : memref<256xi32, #tpu.memory_space<hbm>>) dst(%arg8 : memref<256xi32, #tpu.memory_space<vmem>>)
      tpu.yield
    }) : () -> ()
    %convert_element_type3A = arith.extui %lt3A_3 : i1 to i32
    %cond3A = arith.constant 0 : i32
    %cond3A_6 = arith.cmpi ne, %convert_element_type3A, %cond3A : i32
    scf.if %cond3A_6 {
      "tpu.region"() ({
        %run_scoped3A = tpu.sem_alloc : memref<!tpu.dma_semaphore, #tpu.memory_space<semaphore_mem>>
        %dma_start3A_60 = tpu.memref_slice %arg3[%mul3A_5] : memref<1024xi32, #tpu.memory_space<hbm>> -> memref<128xi32, #tpu.memory_space<hbm>>
        %dma_start3A_61 = tpu.memref_slice %arg3[%mul3A_5] : memref<1024xi32, #tpu.memory_space<hbm>> -> memref<128xi32, #tpu.memory_space<hbm>>
        tpu.enqueue_dma source(%dma_start3A_61 : memref<128xi32, #tpu.memory_space<hbm>>) target(%arg10 : memref<128xi32, #tpu.memory_space<vmem>>) target_semaphore(%run_scoped3A : memref<!tpu.dma_semaphore, #tpu.memory_space<semaphore_mem>>)
        %dma_wait3A_62 = tpu.memref_slice %arg3[%mul3A_5] : memref<1024xi32, #tpu.memory_space<hbm>> -> memref<128xi32, #tpu.memory_space<hbm>>
        %dma_wait3A_63 = tpu.memref_slice %arg3[%mul3A_5] : memref<1024xi32, #tpu.memory_space<hbm>> -> memref<128xi32, #tpu.memory_space<hbm>>
        tpu.wait_dma2 semaphore(%run_scoped3A : memref<!tpu.dma_semaphore, #tpu.memory_space<semaphore_mem>>) src(%dma_wait3A_63 : memref<128xi32, #tpu.memory_space<hbm>>) dst(%arg10 : memref<128xi32, #tpu.memory_space<vmem>>)
        tpu.yield
      }) : () -> ()
    } else {
    }
    %dma_start3A = arith.constant 0 : i32
    %dma_start3A_7 = tpu.memref_slice %arg9[%dma_start3A] : memref<256xf32, #tpu.memory_space<vmem>> -> memref<128xf32, #tpu.memory_space<vmem>>
    %dma_start3A_8 = arith.constant 0 : i32
    %dma_start3A_9 = tpu.memref_slice %arg8[%dma_start3A_8] : memref<256xi32, #tpu.memory_space<vmem>> -> memref<128xi32, #tpu.memory_space<vmem>>
    %dma_start3A_10 = arith.constant 0 : i32
    %dma_start3A_11 = tpu.memref_slice %arg4[%dma_start3A_10] : memref<100000xf32, #tpu.memory_space<hbm>> -> memref<100000xf32, #tpu.memory_space<hbm>>
    tpu.enqueue_indirect_dma source(%dma_start3A_11 : memref<100000xf32, #tpu.memory_space<hbm>>) target(%dma_start3A_7 : memref<128xf32, #tpu.memory_space<vmem>>) offsets(%dma_start3A_9 : memref<128xi32, #tpu.memory_space<vmem>>) semaphore(%arg12 : memref<!tpu.dma_semaphore, #tpu.memory_space<semaphore_mem>>)
    %dma_start3A_12 = arith.constant 128 : i32
    %dma_start3A_13 = tpu.memref_slice %arg9[%dma_start3A_12] : memref<256xf32, #tpu.memory_space<vmem>> -> memref<128xf32, #tpu.memory_space<vmem>>
    %dma_start3A_14 = arith.constant 128 : i32
    %dma_start3A_15 = tpu.memref_slice %arg8[%dma_start3A_14] : memref<256xi32, #tpu.memory_space<vmem>> -> memref<128xi32, #tpu.memory_space<vmem>>
    %dma_start3A_16 = arith.constant 0 : i32
    %dma_start3A_17 = tpu.memref_slice %arg4[%dma_start3A_16] : memref<100000xf32, #tpu.memory_space<hbm>> -> memref<100000xf32, #tpu.memory_space<hbm>>
    tpu.enqueue_indirect_dma source(%dma_start3A_17 : memref<100000xf32, #tpu.memory_space<hbm>>) target(%dma_start3A_13 : memref<128xf32, #tpu.memory_space<vmem>>) offsets(%dma_start3A_15 : memref<128xi32, #tpu.memory_space<vmem>>) semaphore(%arg12 : memref<!tpu.dma_semaphore, #tpu.memory_space<semaphore_mem>>)
    %convert_element_type3A_18 = arith.extui %lt3A_3 : i1 to i32
    %cond3A_19 = arith.constant 0 : i32
    %cond3A_20 = arith.cmpi ne, %convert_element_type3A_18, %cond3A_19 : i32
    scf.if %cond3A_20 {
      %dma_start3A_60 = arith.constant 0 : i32
      %dma_start3A_61 = tpu.memref_slice %arg5[%dma_start3A_60] : memref<100000xf32, #tpu.memory_space<hbm>> -> memref<100000xf32, #tpu.memory_space<hbm>>
      tpu.enqueue_indirect_dma source(%dma_start3A_61 : memref<100000xf32, #tpu.memory_space<hbm>>) target(%arg11 : memref<128xf32, #tpu.memory_space<vmem>>) offsets(%arg10 : memref<128xi32, #tpu.memory_space<vmem>>) semaphore(%arg13 : memref<!tpu.dma_semaphore, #tpu.memory_space<semaphore_mem>>)
      %dma_wait3A_62 = arith.constant 0 : i32
      %dma_wait3A_63 = tpu.memref_slice %arg5[%dma_wait3A_62] : memref<100000xf32, #tpu.memory_space<hbm>> -> memref<100000xf32, #tpu.memory_space<hbm>>
      tpu.wait_indirect_dma semaphore(%arg13 : memref<!tpu.dma_semaphore, #tpu.memory_space<semaphore_mem>>) src(%dma_wait3A_63 : memref<100000xf32, #tpu.memory_space<hbm>>) dst(%arg11 : memref<128xf32, #tpu.memory_space<vmem>>)
      "tpu.region"() ({
        %run_scoped3A = tpu.sem_alloc : memref<!tpu.dma_semaphore, #tpu.memory_space<semaphore_mem>>
        %dma_start3A_64 = tpu.memref_slice %arg7[%mul3A_5] : memref<1024xf32, #tpu.memory_space<hbm>> -> memref<128xf32, #tpu.memory_space<hbm>>
        %dma_start3A_65 = tpu.memref_slice %arg7[%mul3A_5] : memref<1024xf32, #tpu.memory_space<hbm>> -> memref<128xf32, #tpu.memory_space<hbm>>
        tpu.enqueue_dma source(%arg11 : memref<128xf32, #tpu.memory_space<vmem>>) target(%dma_start3A_65 : memref<128xf32, #tpu.memory_space<hbm>>) target_semaphore(%run_scoped3A : memref<!tpu.dma_semaphore, #tpu.memory_space<semaphore_mem>>)
        %dma_wait3A_66 = tpu.memref_slice %arg7[%mul3A_5] : memref<1024xf32, #tpu.memory_space<hbm>> -> memref<128xf32, #tpu.memory_space<hbm>>
        %dma_wait3A_67 = tpu.memref_slice %arg7[%mul3A_5] : memref<1024xf32, #tpu.memory_space<hbm>> -> memref<128xf32, #tpu.memory_space<hbm>>
        tpu.wait_dma2 semaphore(%run_scoped3A : memref<!tpu.dma_semaphore, #tpu.memory_space<semaphore_mem>>) src(%arg11 : memref<128xf32, #tpu.memory_space<vmem>>) dst(%dma_wait3A_67 : memref<128xf32, #tpu.memory_space<hbm>>)
        tpu.yield
      }) : () -> ()
    } else {
    }
    %dma_wait3A = arith.constant 0 : i32
    %dma_wait3A_21 = tpu.memref_slice %arg9[%dma_wait3A] : memref<256xf32, #tpu.memory_space<vmem>> -> memref<128xf32, #tpu.memory_space<vmem>>
    %dma_wait3A_22 = arith.constant 0 : i32
    %dma_wait3A_23 = tpu.memref_slice %arg8[%dma_wait3A_22] : memref<256xi32, #tpu.memory_space<vmem>> -> memref<128xi32, #tpu.memory_space<vmem>>
    %dma_wait3A_24 = arith.constant 0 : i32
    %dma_wait3A_25 = tpu.memref_slice %arg4[%dma_wait3A_24] : memref<100000xf32, #tpu.memory_space<hbm>> -> memref<100000xf32, #tpu.memory_space<hbm>>
    tpu.wait_indirect_dma semaphore(%arg12 : memref<!tpu.dma_semaphore, #tpu.memory_space<semaphore_mem>>) src(%dma_wait3A_25 : memref<100000xf32, #tpu.memory_space<hbm>>) dst(%dma_wait3A_21 : memref<128xf32, #tpu.memory_space<vmem>>)
    %add3A_26 = arith.constant 0 : i32
    %add3A_27 = arith.addi %mul3A_2, %add3A_26 : i32
    %dma_start3A_28 = arith.constant 0 : i32
    %dma_start3A_29 = tpu.memref_slice %arg9[%dma_start3A_28] : memref<256xf32, #tpu.memory_space<vmem>> -> memref<128xf32, #tpu.memory_space<vmem>>
    %dma_start3A_30 = tpu.memref_slice %arg6[%add3A_27] : memref<4096xf32, #tpu.memory_space<hbm>> -> memref<128xf32, #tpu.memory_space<hbm>>
    %dma_start3A_31 = tpu.memref_slice %arg6[%add3A_27] : memref<4096xf32, #tpu.memory_space<hbm>> -> memref<128xf32, #tpu.memory_space<hbm>>
    %dma_start3A_32 = arith.constant 0 : i32
    %dma_start3A_33 = tpu.memref_slice %arg9[%dma_start3A_32] : memref<256xf32, #tpu.memory_space<vmem>> -> memref<128xf32, #tpu.memory_space<vmem>>
    tpu.enqueue_dma source(%dma_start3A_33 : memref<128xf32, #tpu.memory_space<vmem>>) target(%dma_start3A_31 : memref<128xf32, #tpu.memory_space<hbm>>) target_semaphore(%arg13 : memref<!tpu.dma_semaphore, #tpu.memory_space<semaphore_mem>>)
    %dma_wait3A_34 = arith.constant 128 : i32
    %dma_wait3A_35 = tpu.memref_slice %arg9[%dma_wait3A_34] : memref<256xf32, #tpu.memory_space<vmem>> -> memref<128xf32, #tpu.memory_space<vmem>>
    %dma_wait3A_36 = arith.constant 128 : i32
    %dma_wait3A_37 = tpu.memref_slice %arg8[%dma_wait3A_36] : memref<256xi32, #tpu.memory_space<vmem>> -> memref<128xi32, #tpu.memory_space<vmem>>
    %dma_wait3A_38 = arith.constant 0 : i32
    %dma_wait3A_39 = tpu.memref_slice %arg4[%dma_wait3A_38] : memref<100000xf32, #tpu.memory_space<hbm>> -> memref<100000xf32, #tpu.memory_space<hbm>>
    tpu.wait_indirect_dma semaphore(%arg12 : memref<!tpu.dma_semaphore, #tpu.memory_space<semaphore_mem>>) src(%dma_wait3A_39 : memref<100000xf32, #tpu.memory_space<hbm>>) dst(%dma_wait3A_35 : memref<128xf32, #tpu.memory_space<vmem>>)
    %add3A_40 = arith.constant 128 : i32
    %add3A_41 = arith.addi %mul3A_2, %add3A_40 : i32
    %dma_start3A_42 = arith.constant 128 : i32
    %dma_start3A_43 = tpu.memref_slice %arg9[%dma_start3A_42] : memref<256xf32, #tpu.memory_space<vmem>> -> memref<128xf32, #tpu.memory_space<vmem>>
    %dma_start3A_44 = tpu.memref_slice %arg6[%add3A_41] : memref<4096xf32, #tpu.memory_space<hbm>> -> memref<128xf32, #tpu.memory_space<hbm>>
    %dma_start3A_45 = tpu.memref_slice %arg6[%add3A_41] : memref<4096xf32, #tpu.memory_space<hbm>> -> memref<128xf32, #tpu.memory_space<hbm>>
    %dma_start3A_46 = arith.constant 128 : i32
    %dma_start3A_47 = tpu.memref_slice %arg9[%dma_start3A_46] : memref<256xf32, #tpu.memory_space<vmem>> -> memref<128xf32, #tpu.memory_space<vmem>>
    tpu.enqueue_dma source(%dma_start3A_47 : memref<128xf32, #tpu.memory_space<vmem>>) target(%dma_start3A_45 : memref<128xf32, #tpu.memory_space<hbm>>) target_semaphore(%arg13 : memref<!tpu.dma_semaphore, #tpu.memory_space<semaphore_mem>>)
    %dma_wait3A_48 = arith.constant 0 : i32
    %dma_wait3A_49 = tpu.memref_slice %arg9[%dma_wait3A_48] : memref<256xf32, #tpu.memory_space<vmem>> -> memref<128xf32, #tpu.memory_space<vmem>>
    %dma_wait3A_50 = tpu.memref_slice %arg6[%add3A_27] : memref<4096xf32, #tpu.memory_space<hbm>> -> memref<128xf32, #tpu.memory_space<hbm>>
    %dma_wait3A_51 = tpu.memref_slice %arg6[%add3A_27] : memref<4096xf32, #tpu.memory_space<hbm>> -> memref<128xf32, #tpu.memory_space<hbm>>
    %dma_wait3A_52 = arith.constant 0 : i32
    %dma_wait3A_53 = tpu.memref_slice %arg9[%dma_wait3A_52] : memref<256xf32, #tpu.memory_space<vmem>> -> memref<128xf32, #tpu.memory_space<vmem>>
    tpu.wait_dma2 semaphore(%arg13 : memref<!tpu.dma_semaphore, #tpu.memory_space<semaphore_mem>>) src(%dma_wait3A_53 : memref<128xf32, #tpu.memory_space<vmem>>) dst(%dma_wait3A_51 : memref<128xf32, #tpu.memory_space<hbm>>)
    %dma_wait3A_54 = arith.constant 128 : i32
    %dma_wait3A_55 = tpu.memref_slice %arg9[%dma_wait3A_54] : memref<256xf32, #tpu.memory_space<vmem>> -> memref<128xf32, #tpu.memory_space<vmem>>
    %dma_wait3A_56 = tpu.memref_slice %arg6[%add3A_41] : memref<4096xf32, #tpu.memory_space<hbm>> -> memref<128xf32, #tpu.memory_space<hbm>>
    %dma_wait3A_57 = tpu.memref_slice %arg6[%add3A_41] : memref<4096xf32, #tpu.memory_space<hbm>> -> memref<128xf32, #tpu.memory_space<hbm>>
    %dma_wait3A_58 = arith.constant 128 : i32
    %dma_wait3A_59 = tpu.memref_slice %arg9[%dma_wait3A_58] : memref<256xf32, #tpu.memory_space<vmem>> -> memref<128xf32, #tpu.memory_space<vmem>>
    tpu.wait_dma2 semaphore(%arg13 : memref<!tpu.dma_semaphore, #tpu.memory_space<semaphore_mem>>) src(%dma_wait3A_59 : memref<128xf32, #tpu.memory_space<vmem>>) dst(%dma_wait3A_57 : memref<128xf32, #tpu.memory_space<hbm>>)
    return
  }
}

module attributes {stable_mosaic.version = 14 : i64} {
  func.func @_dense_body(%arg0: i32, %arg1: memref<4096xf32, #tpu.memory_space<vmem>>, %arg2: memref<1024xf32, #tpu.memory_space<vmem>>, %arg3: memref<1024x1024xf32, #tpu.memory_space<vmem>>) attributes {dimension_semantics = [#tpu.dimension_semantics<arbitrary>], iteration_bounds = array<i64: 4>, scalar_prefetch = 0 : i64, scratch_operands = 0 : i64, tpu.core_type = #tpu.core_type<tc>, window_params = [{pipeline_mode = #tpu.pipeline_mode<synchronous>, transform_indices = @transform_0, window_bounds = array<i64: 4096>}, {pipeline_mode = #tpu.pipeline_mode<synchronous>, transform_indices = @transform_1, window_bounds = array<i64: 1024>}, {transform_indices = @transform_2, window_bounds = array<i64: 1024, 1024>}]} {
    %mul3A = arith.constant 1024 : i32
    %mul3A_0 = arith.muli %arg0, %mul3A : i32
    %get3A = arith.index_cast %mul3A_0 : i32 to index
    %get3A_1 = vector.load %arg1[%get3A] : memref<4096xf32, #tpu.memory_space<vmem>>, vector<1024xf32>
    %broadcast_in_dim3A = vector.shape_cast %get3A_1 : vector<1024xf32> to vector<1024x1xf32>
    %get3A_2 = arith.constant 0 : index
    %get3A_3 = vector.load %arg2[%get3A_2] : memref<1024xf32, #tpu.memory_space<vmem>>, vector<1024xf32>
    %broadcast_in_dim3A_4 = vector.shape_cast %get3A_3 : vector<1024xf32> to vector<1x1024xf32>
    %sub3A = vector.broadcast %broadcast_in_dim3A : vector<1024x1xf32> to vector<1024x1024xf32>
    %sub3A_5 = vector.broadcast %broadcast_in_dim3A_4 : vector<1x1024xf32> to vector<1024x1024xf32>
    %sub3A_6 = arith.subf %sub3A, %sub3A_5 : vector<1024x1024xf32>
    %swap3A = arith.constant 0 : index
    %swap3A_7 = arith.constant 0 : index
    %swap3A_8 = vector.load %arg3[%swap3A, %swap3A_7] : memref<1024x1024xf32, #tpu.memory_space<vmem>>, vector<1024x1024xf32>
    tpu.vector_store %arg3[%swap3A, %swap3A_7], %sub3A_6 {strides = array<i32>} : memref<1024x1024xf32, #tpu.memory_space<vmem>>, vector<1024x1024xf32>,
    return
  }
  func.func @transform_0(%arg0: i32) -> i32 {
    %c0_i32 = arith.constant 0 : i32
    %c0_i32_0 = arith.constant 0 : i32
    return %c0_i32 : i32
  }
  func.func @transform_1(%arg0: i32) -> i32 {
    %c0_i32 = arith.constant 0 : i32
    %c0_i32_0 = arith.constant 0 : i32
    return %c0_i32 : i32
  }
  func.func @transform_2(%arg0: i32) -> (i32, i32) {
    %c0_i32 = arith.constant 0 : i32
    %c0_i32_0 = arith.constant 0 : i32
    return %arg0, %c0_i32 : i32, i32
  }
}

</mosaic_0001>

<sc_bundles>
// kernel: _irt.4.cloned.1.call-start
scs
__scs_entry_jumppad:
0x0: {  	(pc) =	sbr.rel $0x88, $3  }
0x1: {  	(tag) =	ssettag $0x0;
	lr =	simm.s32 $0x1  }
0x2: {  	[smem:$0x3F9D] =	sst lr;
	_ =	strace $0xD0000000  }
0x3: {  	_ = 	snop  }
0x4: {  	_ = 	snop  }
0x5: {  	_ = 	snop  }
0x6: {  	_ = 	snop  }
0x7: {  	_ = 	snop  }
__scs_overlays_trampoline_lowered:
0x8: {  	[smem:$0x3FAC] =	sst s0  }
0x9: {  	[smem:$0x3FAD] =	sst s1  }
0xa: {  	[smem:$0x3FAE] =	sst s2  }
0xb: {  	[smem:$0x3FAF] =	sst s3  }
0xc: {  	[smem:$0x3FB0] =	sst s4  }
0xd: {  	[smem:$0x3FB1] =	sst s5  }
0xe: {  	[smem:$0x3FB2] =	sst s6  }
0xf: {  	[smem:$0x3FB3] =	sst s7  }
0x10: {  	[smem:$0x3FB4] =	sst s8  }
0x11: {  	[smem:$0x3FB5] =	sst s9;
	s0 =	simm.s32 @!p0 $0x0  }
0x12: {  	s1 =	sld [smem:$0x3F9B];
	s0 =	simm.s32 @p0 $0x1  }
0x13: {  	[smem:$0x3FB6] =	sst s0;
	s0 =	simm.s32 @!p1 $0x0  }
0x14: {  	s2 =	sld [smem:$0x3F9A];
	s0 =	simm.s32 @p1 $0x1  }
0x15: {  	[smem:$0x3FB7] =	sst s0;
	s0 =	simm.s32 @!p2 $0x0  }
0x16: {  	s3 =	sld [smem:$0x3FDB];
	s0 =	simm.s32 @p2 $0x1  }
0x17: {  	s4 =	simm.s32 $0x1BF5;
	[smem:$0x3FB9] =	sst s0  }
0x18: {  	s0 =	sld [smem:$0x3F9C];
	_ =	swait.ge [sflag:s4], $0x0  }
0x19: {  	s7 =	sld [smem:$0x3F9D]  }
0x1a: {  	s8 =	sadd.s32 $0xFFFFE003, lr  }
0x1b: {  	s9 =	sadd.s32 $0xFFFFFEF7, lr;
	s5 =	simm.s32 $0xFFFFFFFF;
	p2 =	slt.u32 s8, $0xFFFFF086  }
0x1c: {  	p1 =	slt.u32 s9, $0xF7A;
	s5 =	simm.s32 @!p2 $0x0  }
0x1d: {  	s5 =	simm.s32 @p1 $0x1;
	p0 =	seq.s32 s7, s2  }
0x1e: {  	s7 =	smul.u32 @!p0 $0xF7A, s2;
	p2 =	seq.s32 @!p0 s5, $0x0  }
0x1f: {  	s9 =	smul.u32 $0xF7A, s1;
	s8 =	simm.s32 @!p0 $0x1BF5;
	p2 =	por !p2, p0  }
0x20: {  	[sflag:s8] =	ssyncset.s32 @!p0 $0xFFFFF086;
	s6 =	sadd.s32 @!p0 s3, s7;
	s7 =	simm.s32 @!p0 $0x108  }
0x21: {  	s3 =	sadd.s32 s3, s9;
	s6 =	sadd.s32 @!p0 $0x88, s6;
	s7 =	simm.s32 @p2 $0x1082  }
0x22: {  	[simem:s7], [sflag:s8] =	dma.local @!p0 [hbm:s6], $0xF7A  }
0x23: {  	s9 =	sor.u32 $0xD0000000, s2;
	s6 =	simm.s32 $0x108;
	_ =	swait.ge @!p0 [sflag:s8], $0x0  }
0x24: {  	s3 =	sadd.s32 $0x88, s3;
	s6 =	simm.s32 @!p1 $0x1082;
	[sflag:s4] =	ssyncset.s32 $0xFFFFF086  }
0x25: {  	[simem:s6], [sflag:s4] =	dma.local [hbm:s3], $0xF7A  }
0x26: {  	[smem:$0x3F9D] =	sst s1;
	(tag) =	ssettag s2;
	_ =	strace s9  }
0x27: {  	s1 =	sld [smem:$0x3FAD]  }
0x28: {  	s2 =	sld [smem:$0x3FAE]  }
0x29: {  	s4 =	sld [smem:$0x3FB0]  }
0x2a: {  	p0 =	seq.s32 s5, $0x0;
	s5 =	sld [smem:$0x3FB1]  }
0x2b: {  	s6 =	sld [smem:$0x3FB2]  }
0x2c: {  	s7 =	sld [smem:$0x3FB3]  }
0x2d: {  	s3 =	simm.s32 $0x108;
	s8 =	sld [smem:$0x3FB4]  }
0x2e: {  	s3 =	simm.s32 @!p0 $0x1082;
	s9 =	sld [smem:$0x3FB5]  }
0x2f: {  	lr =	sadd.s32 s0, s3;
	s0 =	sld [smem:$0x3FAC]  }
0x30: {  	s3 =	sld [smem:$0x3FAF]  }
0x31: {  	[smem:$0x3FB8] =	sst s10  }
0x32: {  	s10 =	sld [smem:$0x3FB6];
	_ =	sdelay $0x3  }
0x33: {  	p0 =	seq.s32 s10, $0x1;
	s10 =	sld [smem:$0x3FB8];
	_ =	sdelay $0x3  }
0x34: {  	[smem:$0x3FB8] =	sst s10  }
0x35: {  	s10 =	sld [smem:$0x3FB7];
	_ =	sdelay $0x3  }
0x36: {  	p1 =	seq.s32 s10, $0x1;
	s10 =	sld [smem:$0x3FB8];
	_ =	sdelay $0x3  }
0x37: {  	[smem:$0x3FB8] =	sst s10  }
0x38: {  	s10 =	sld [smem:$0x3FB9]  }
0x39: {  	_ = 	snop;
	(pc) =	sbr.ind lr, $3  }
0x3a: {  	_ = 	snop  }
0x3b: {  	_ = 	snop  }
0x3c: {  	p2 =	seq.s32 s10, $0x1;
	s10 =	sld [smem:$0x3FB8]  }
0x3d: {  	_ =	shalt  }
0x3e: {  	_ =	shalt  }
0x3f: {  	_ =	shalt  }
0x40: {  	_ =	shalt  }
0x41: {  	_ =	shalt  }
0x42: {  	_ =	shalt  }
0x43: {  	_ =	shalt  }
0x44: {  	_ =	shalt  }
0x45: {  	_ =	shalt  }
0x46: {  	_ =	shalt  }
0x47: {  	_ =	shalt  }
0x48: {  	_ =	shalt  }
0x49: {  	_ =	shalt  }
0x4a: {  	_ =	shalt  }
0x4b: {  	_ =	shalt  }
0x4c: {  	_ =	shalt  }
0x4d: {  	_ =	shalt  }
0x4e: {  	_ =	shalt  }
0x4f: {  	_ =	shalt  }
0x50: {  	_ =	shalt  }
0x51: {  	_ =	shalt  }
0x52: {  	_ =	shalt  }
0x53: {  	_ =	shalt  }
0x54: {  	_ =	shalt  }
0x55: {  	_ =	shalt  }
0x56: {  	_ =	shalt  }
0x57: {  	_ =	shalt  }
0x58: {  	_ =	shalt  }
0x59: {  	_ =	shalt  }
0x5a: {  	_ =	shalt  }
0x5b: {  	_ =	shalt  }
0x5c: {  	_ =	shalt  }
0x5d: {  	_ =	shalt  }
0x5e: {  	_ =	shalt  }
0x5f: {  	_ =	shalt  }
0x60: {  	_ =	shalt  }
0x61: {  	_ =	shalt  }
0x62: {  	_ =	shalt  }
0x63: {  	_ =	shalt  }
0x64: {  	_ =	shalt  }
0x65: {  	_ =	shalt  }
0x66: {  	_ =	shalt  }
0x67: {  	_ =	shalt  }
0x68: {  	_ =	shalt  }
0x69: {  	_ =	shalt  }
0x6a: {  	_ =	shalt  }
0x6b: {  	_ =	shalt  }
0x6c: {  	_ =	shalt  }
0x6d: {  	_ =	shalt  }
0x6e: {  	_ =	shalt  }
0x6f: {  	_ =	shalt  }
0x70: {  	_ =	shalt  }
0x71: {  	_ =	shalt  }
0x72: {  	_ =	shalt  }
0x73: {  	_ =	shalt  }
0x74: {  	_ =	shalt  }
0x75: {  	_ =	shalt  }
0x76: {  	_ =	shalt  }
0x77: {  	_ =	shalt  }
0x78: {  	_ =	shalt  }
0x79: {  	_ =	shalt  }
0x7a: {  	_ =	shalt  }
0x7b: {  	_ =	shalt  }
0x7c: {  	_ =	shalt  }
0x7d: {  	_ =	shalt  }
0x7e: {  	_ =	shalt  }
0x7f: {  	_ =	shalt  }
0x80: {  	_ =	shalt  }
0x81: {  	_ =	shalt  }
0x82: {  	_ =	shalt  }
0x83: {  	_ =	shalt  }
0x84: {  	_ =	shalt  }
0x85: {  	_ =	shalt  }
0x86: {  	_ =	shalt  }
0x87: {  	_ =	shalt  }
.Lfunc_end0:
.L_simem_size_0:
called_computation_lowered:
.L_overlay_start_0:
0x88: {  	s0 =	sld [smem:$0x3FD9]  }
0x89: {  	s1 =	sld [smem:$0x3FFE];
	_ =	sdelay $0x3  }
0x8a: {  	s0 =	sadd.s32 s1, s0  }
0x8b: {  	[smem:$0x3FC4] =	sst s0  }
0x8c: {  	_ = 	snop  }
0x8d: {  	s0 =	sld [smem:$0x3FC9]  }
0x8e: {  	s16 =	sld [smem:$0x3FC8]  }
0x8f: {  	s2 =	sld [smem:$0x3FC7]  }
0x90: {  	s3 =	sld [smem:$0x3FC6]  }
0x91: {  	s4 =	sld [smem:$0x3FD0];
	(tm) =	ssettm $0x1  }
0x92: {  	s5 =	sld [smem:$0x3FFB];
	_ =	sdelay $0x3  }
0x93: {  	_ =	strace s5  }
0x94: {  	s5 =	sld [smem:$0x3FFC];
	_ =	sdelay $0x3  }
0x95: {  	_ =	strace s5  }
0x96: {  	s5 =	sld [smem:$0x3FFD];
	_ =	sdelay $0x3  }
0x97: {  	_ =	strace s5  }
0x98: {  	_ =	strace $0x8FFFFFFF  }
0x99: {  	s17 =	sld [smem:$0x3FDB];
	_ =	sdelay $0x1  }
0x9a: {  	s6 =	simm.s32 $_scs_section_size  }
0x9b: {  	s7 =	simm.s32 $_size__tile_overlayer_lowered;
	s8 =	simm.s32 $_tile_overlayer_lowered  }
0x9c: {  	s20 =	simm.s32 $0x1BFF;
	s19 =	sshll.u32 s8, $0x1;
	s5 =	sadd.s32 s6, s17  }
0x9d: {  	s9 =	simm.s32 $0x0;
	s18 =	sshll.u32 s7, $0x1;
	s7 =	sadd.s32 s19, s5  }
0x9e: {  	[timem:s9], [sflag:s20] =	dma.local [hbm:s7], s18  }
0x9f: {  	_ =	swait.ge [sflag:s20], s18  }
0xa0: {  	s6 =	ssub.s32 $0x0, s18;
	[sflag:s20] =	ssyncset.done $0x0  }
0xa1: {  	[sflag:s20] =	ssyncadd.s32 s6;
	_ =	sdelay $0x1  }
0xa2: {  	s21 =	simm.s32 $0x1B8B  }
0xa3: {  	_ =	swait.ge [sflag:s21], $0x1  }
0xa4: {  	[sflag:s21] =	ssyncset.done $0x0  }
0xa5: {  	s23 =	simm.s32 $0x1B8E;
	s22 =	sld [smem:$0x3FFE];
	[sflag:s21] =	ssyncadd.s32 $0xFFFFFFFF  }
0xa6: {  	s24 =	simm.s32 $execute0_lowered;
	[smem:$0x3FD2] =	sst s23  }
0xa7: {  	s7 =	sshll.u32 s24, $0x1;
	_ =	strace $0x80000046;
	[dreg:$0x1] =	wrdreg $0xFFFFFFFF  }
0xa8: {  	s25 =	simm.s32 $_size_execute0_lowered;
	s5 =	sadd.s32 s5, s7;
	[dreg:$0x0] =	wrdreg $0x0  }
0xa9: {  	s7 =	sshll.u32 s25, $0x1;
	[dreg:$0x2] =	wrdreg s5  }
0xaa: {  	[dreg:$0x3] =	wrdreg s7  }
0xab: {  	[dreg:$0x4] =	wrdreg $0xC0  }
0xac: {  	_ =	task [dreg:s9], $0x5FFFF  }
0xad: {  	[dreg:$0x1] =	wrdreg $0xFFFFFFFF  }
0xae: {  	[dreg:$0x0] =	wrdreg $0x60  }
0xaf: {  	[dreg:$0x2] =	wrdreg s0  }
0xb0: {  	[dreg:$0x3] =	wrdreg s16  }
0xb1: {  	[dreg:$0x4] =	wrdreg s2  }
0xb2: {  	[dreg:$0x5] =	wrdreg s3  }
0xb3: {  	[dreg:$0x6] =	wrdreg s4  }
0xb4: {  	[dreg:$0x7] =	wrdreg s22  }
0xb5: {  	[dreg:$0x8] =	wrdreg $0x9  }
0xb6: {  	_ =	task.clear_ibuf [dreg:s9], $0x9FFFF;
	_ =	strace $0x90000046  }
0xb7: {  	s26 =	simm.s32 $0x9;
	_ =	strace $0x80000048  }
0xb8: {  	_ =	swait.ge [sflag:s26], $0x1  }
0xb9: {  	[sflag:s26] =	ssyncadd.s32 $0xFFFFFFFF  }
0xba: {  	_ =	strace $0x90000048  }
0xbb: {  	_ =	sfence  }
0xbc: {  	s28 =	sld [smem:$0x0];
	_ =	sdelay $0x1  }
0xbd: {  	s29 =	srdreg.scid  }
0xbe: {  	s30 =	sshll.u32 s29, $0xD;
	s31 =	sshrl.u32 s29, $0x2  }
0xbf: {  	s1 =	sand.u32 $0x1, s29;
	s2 =	sand.u32 $0x4000, s30;
	s0 =	sadd.s32 s31, s28  }
0xc0: {  	s1 =	sor.u32 s2, s1;
	s0 =	sshll.u32 s0, $0x11  }
0xc1: {  	s0 =	sor.u32 s0, s1  }
0xc2: {  	s0 =	sadd.s32 $0x8F2B, s0  }
0xc3: {  	[sflag:s0] =	ssyncadd.remote.s32 $0x1  }
0xc4: {  	_ =	sfence.sel $0xFFFF  }
0xc5: {  	[dreg:$0x0] =	wrdreg $0xFFFFFFFF;
	(pc) =	sbr.abs _section_cstart, $3  }
0xc6: {  	[dreg:$0x1] =	wrdreg $0xFFFFFFFF  }
0xc7: {  	_ =	task.clear_ibuf [dreg:s9], $0x2FFFF;
	_ =	strace $0x9FFFFFFF  }
0xc8: {  	(tm) =	ssettm $0x7FFFFFFF  }
0xc9: {  	_ =	shalt  }
tec
execute0_lowered:
.L_overlay_start_1:
0x0: {  	(tag) =	ssettag $0x1  }
0x1: {  	s2 =	rddreg [dreg:$0x0]  }
0x2: {  	s3 =	rddreg [dreg:$0x1]  }
0x3: {  	s4 =	rddreg [dreg:$0x2]  }
0x4: {  	s5 =	rddreg [dreg:$0x3]  }
0x5: {  	s6 =	rddreg [dreg:$0x4]  }
0x6: {  	s7 =	rddreg [dreg:$0x5]  }
0x7: {  	s0 =	rddreg [dreg:$0x6];
	s8 =	simm.s32 $0x0;
	s1 =	stileid.u32  }
0x8: {  	[smem:$0x7FF] =	sst s8;
	s9 =	sshll.u32 s1, $0x5  }
0x9: {  	s25 =	simm.s32 $0x3;
	_ =	strace $0x80000047;
	s2 =	sadd.s32 s2, s9  }
0xa: {  	[tilespmem:s8], [sflag:$0x3] =	stream.linear.gather [hbm4b:s2+s8], $0x100, $0x38;
	[tilespmem:$0x300] =	vst v63  }
0xb: {  	p0 =	slt.u32 s1, $0x8;
	_ =	swait.ge [sflag:s25], $0x100  }
0xc: {  	s10 =	simm.s32 @p0 $0x0;
	s2 =	sshll.u32 @p0 s1, $0x4;
	[sflag:s25] =	ssyncset.done $0x0  }
0xd: {  	s11 =	simm.s32 @p0 $0x200;
	s3 =	sadd.s32 @p0 s3, s2;
	[sflag:s25] =	ssyncadd.s32 $0xFFFFFF00  }
0xe: {  	[tilespmem:s11], [sflag:$0x3] =	stream.linear.gather @p0 [hbm4b:s3+s10], $0x80, $0x38;
	[tilespmem:$0x300] =	vst v63  }
0xf: {  	s3 =	simm.s32 @p0 $0x3  }
0x10: {  	_ =	swait.ge @p0 [sflag:s3], $0x80  }
0x11: {  	[sflag:s3] =	ssyncset.done @p0 $0x0  }
0x12: {  	s12 =	simm.s32 @p0 $0x80;
	s13 =	simm.s32 @p0 $0x100;
	[sflag:s3] =	ssyncadd.s32 @p0 $0xFFFFFF80  }
0x13: {  	[tilespmem:s13], [sflag:$0x1] =	stream.indirect.gather @p0 [hbm4b:s4+s12], $0x1, s10, s12, $0xb8;
	[tilespmem:$0x300] =	vst v63  }
0x14: {  	s13 =	simm.s32 @p0 $0x180  }
0x15: {  	[tilespmem:s13], [sflag:$0x1] =	stream.indirect.gather @p0 [hbm4b:s4+s12], $0x1, s12, s12, $0xb8;
	[tilespmem:$0x300] =	vst v63  }
0x16: {  	s13 =	simm.s32 @p0 $0x280  }
0x17: {  	[tilespmem:s13], [sflag:$0x2] =	stream.indirect.gather @p0 [hbm4b:s5+s12], $0x1, s11, s12, $0xb8;
	[tilespmem:$0x300] =	vst v63  }
0x18: {  	s5 =	simm.s32 @p0 $0x2  }
0x19: {  	_ =	swait.ge @p0 [sflag:s5], $0x80  }
0x1a: {  	s7 =	sadd.s32 $0xC00, s7;
	[sflag:s5] =	ssyncset.done @p0 $0x0  }
0x1b: {  	s2 =	sadd.s32 @p0 s7, s2;
	[sflag:s5] =	ssyncadd.s32 @p0 $0xFFFFFF80  }
0x1c: {  	[hbm4b:s2+s10] =	stream.linear.scatter @p0 [tilespmem:s13], [sflag:$0x3], $0x80, $0x38;
	[tilespmem:$0x300] =	vst v63  }
0x1d: {  	_ =	swait.ge @p0 [sflag:s3], $0x80  }
0x1e: {  	s5 =	simm.s32 @!p0 $0x100;
	[sflag:s3] =	ssyncset.done @p0 $0x0  }
0x1f: {  	s2 =	simm.s32 @!p0 $0x80;
	[sflag:s3] =	ssyncadd.s32 @p0 $0xFFFFFF80;
	s3 =	simm.s32 @!p0 $0x0  }
0x20: {  	[tilespmem:s5], [sflag:$0x1] =	stream.indirect.gather @!p0 [hbm4b:s4+s2], $0x1, s3, s2, $0xb8;
	[tilespmem:$0x300] =	vst v63  }
0x21: {  	s26 =	simm.s32 $0x1;
	s3 =	simm.s32 @!p0 $0x180  }
0x22: {  	[tilespmem:s3], [sflag:$0x1] =	stream.indirect.gather @!p0 [hbm4b:s4+s2], $0x1, s2, s2, $0xb8;
	[tilespmem:$0x300] =	vst v63  }
0x23: {  	_ =	swait.ge [sflag:s26], $0x80  }
0x24: {  	[sflag:s26] =	ssyncset.done $0x0  }
0x25: {  	s29 =	simm.s32 $0x100;
	s28 =	sadd.s32 s6, s9;
	[sflag:s26] =	ssyncadd.s32 $0xFFFFFF80  }
0x26: {  	[hbm4b:s28+s8] =	stream.linear.scatter [tilespmem:s29], [sflag:$0x2], $0x80, $0x38;
	[tilespmem:$0x300] =	vst v63  }
0x27: {  	_ =	swait.ge [sflag:s26], $0x80  }
0x28: {  	s30 =	simm.s32 $0x180;
	[sflag:s26] =	ssyncset.done $0x0  }
0x29: {  	s31 =	simm.s32 $0x2;
	s3 =	sadd.s32 $0x10, s28;
	[sflag:s26] =	ssyncadd.s32 $0xFFFFFF80  }
0x2a: {  	[hbm4b:s3+s8] =	stream.linear.scatter [tilespmem:s30], [sflag:$0x2], $0x80, $0x38;
	[tilespmem:$0x300] =	vst v63  }
0x2b: {  	_ =	swait.ge [sflag:s31], $0x80  }
0x2c: {  	[sflag:s31] =	ssyncset.done $0x0  }
0x2d: {  	[sflag:s31] =	ssyncadd.s32 $0xFFFFFF80  }
0x2e: {  	_ =	swait.ge [sflag:s31], $0x80  }
0x2f: {  	[sflag:s31] =	ssyncset.done $0x0  }
0x30: {  	[sflag:s31] =	ssyncadd.s32 $0xFFFFFF80  }
0x31: {  	_ =	sfence.sel $0x180000  }
0x32: {  	[bflag:$0x0] =	sbarrier.arrive $0xFFFF  }
0x33: {  	p0 =	sne.s32 s1, $0x0;
	_ =	strace $0x90000047  }
0x34: {  	s0 =	sadd.s32 @!p0 $0x100000, s0;
	[bflag:$0x2] =	sbarrier.arrive $0xFFFF  }
0x35: {  	[sflag:s0] =	ssyncadd.tile.s32 @!p0 $0x1;
	_ =	shalt  }
.Lfunc_end2:
_tile_overlayer_lowered:
.L_overlay_start_2:
0x36: {  	(tag) =	ssettag $0x2  }
0x37: {  	s0 =	rddreg [dreg:$0x0];
	s2 =	stileid.u32  }
0x38: {  	s1 =	rddreg [dreg:$0x1];
	p0 =	sne.s32 s2, $0x0  }
0x39: {  	s3 =	rddreg [dreg:$0x2];
	[bflag:$0x3] =	sbarrier.arrive $0xFFFF;
	s2 =	simm.s32 @!p0 $0x1C03  }
0x3a: {  	[timem:s3], [sflag:s2] =	dma.local @!p0 [hbm:s0], s1  }
0x3b: {  	s0 =	simm.s32 @!p0 $0x3  }
0x3c: {  	_ =	swait.ge @!p0 [sflag:s0], s1  }
0x3d: {  	s1 =	ssub.s32 @!p0 $0x0, s1;
	[sflag:s0] =	ssyncset.done @!p0 $0x0  }
0x3e: {  	[sflag:s0] =	ssyncadd.s32 @!p0 s1  }
0x3f: {  	[bflag:$0x3] =	sbarrier.arrive $0xFFFF  }
0x40: {  	_ =	shalt  }

</sc_bundles>
